<compile_context>
chip_gen: v7x
topology: tpu7x:2x2x1
jax: 0.10.2.dev20260603
libtpu: 0.0.44.dev20260713+nightly
codegen_flags: <defaults>
</compile_context>

<pallas_src>
import functools

import jax
import jax.numpy as jnp
from jax import lax
from jax.experimental import pallas as pl
from jax.experimental.pallas import tpu as pltpu
from jax.experimental.pallas import tpu_sc as plsc

B, N, D, K, E = 4, 4096, 128, 27, 256
BQ = 512
BM = 512


def _dist_body(xq_ref, xk_ref, out_ref):
    q = xq_ref[0]
    k = xk_ref[0]
    qn = jnp.sum(q * q, axis=1, keepdims=True)
    kn = jnp.sum(k * k, axis=1, keepdims=True)
    dot = jax.lax.dot_general(q, k, (((1,), (1,)), ((), ())),
                              preferred_element_type=jnp.float32)
    out_ref[0] = -((qn + kn.T) - 2.0 * dot)


def _neg_dmat(x_v_pad):
    return pl.pallas_call(
        _dist_body,
        grid=(B, N // BQ),
        in_specs=[
            pl.BlockSpec((1, BQ, 8), lambda b, i: (b, i, 0)),
            pl.BlockSpec((1, N, 8), lambda b, i: (b, 0, 0)),
        ],
        out_specs=pl.BlockSpec((1, BQ, N), lambda b, i: (b, i, 0)),
        out_shape=jax.ShapeDtypeStruct((B, N, N), jnp.float32),
    )(x_v_pad, x_v_pad)


_info = plsc.get_sparse_core_info()
_NC, _NS = _info.num_cores, _info.num_subcores
_NW = _NC * _NS
_ROWS = B * N * K
_RPW = _ROWS // _NW
_CHUNK = 512


def _make_gather():
    mesh = plsc.VectorSubcoreMesh(core_axis_name="c", subcore_axis_name="s")

    @functools.partial(
        pl.kernel, mesh=mesh,
        out_type=jax.ShapeDtypeStruct((_ROWS, D), jnp.float32),
        scratch_types=[
            pltpu.VMEM((_CHUNK,), jnp.int32),
            pltpu.VMEM((_CHUNK, D), jnp.float32),
            pltpu.SemaphoreType.DMA,
        ],
    )
    def gather_k(table_hbm, idx_hbm, out_hbm, idx_v, rows_v, sem):
        wid = lax.axis_index("s") * _NC + lax.axis_index("c")
        base = wid * _RPW

        def body(i, _):
            off = base + i * _CHUNK
            pltpu.sync_copy(idx_hbm.at[pl.ds(off, _CHUNK)], idx_v)
            pltpu.async_copy(table_hbm.at[idx_v], rows_v, sem).wait()
            pltpu.sync_copy(rows_v, out_hbm.at[pl.ds(off, _CHUNK)])
            return ()

        lax.fori_loop(0, _RPW // _CHUNK, body, (), unroll=False)

    return gather_k


_gather = _make_gather()


def _mm_body(g_ref, w_ref, b_ref, out_ref):
    out_ref[...] = (
        jax.lax.dot_general(g_ref[...], w_ref[...], (((1,), (1,)), ((), ())),
                            preferred_element_type=jnp.float32)
        + b_ref[...]
    )


def _linear(gathered_flat, W, b):
    return pl.pallas_call(
        _mm_body,
        grid=(B * N // BM,),
        in_specs=[
            pl.BlockSpec((BM, K * D), lambda i: (i, 0)),
            pl.BlockSpec((E, K * D), lambda i: (0, 0)),
            pl.BlockSpec((1, E), lambda i: (0, 0)),
        ],
        out_specs=pl.BlockSpec((BM, E), lambda i: (i, 0)),
        out_shape=jax.ShapeDtypeStruct((B * N, E), jnp.float32),
    )(gathered_flat, W, b.reshape(1, E))


def kernel(x, x_v, W, b):
    x_v_pad = jnp.pad(x_v, ((0, 0), (0, 0), (0, 5)))
    neg_d = _neg_dmat(x_v_pad)
    _, idx = jax.lax.top_k(neg_d, K)
    idx_g = (idx + (jnp.arange(B, dtype=jnp.int32) * N)[:, None, None])
    table = x.reshape(B * N, D)
    gathered = _gather(table, idx_g.reshape(-1))
    out = _linear(gathered.reshape(B * N, K * D), W, b)
    return out.reshape(B, N, E)

# --- scband reference (transcript-rebuilt; emitter-appended) ---
"""Pipeline reference for scband-knn-embedding-v-15960098472027 (READ-ONLY COPY).

The authoritative reference and input builder live on the scoring server;
editing this copy changes nothing except your own understanding.
"""

import jax, jax.numpy as jnp
import numpy as np

B, N, D, K, E = 4, 4096, 128, 27, 256

def setup_inputs(seed: int = 0) -> dict:
    key = jax.random.key(seed)
    k1, k2, k3 = jax.random.split(key, 3)
    x = jax.random.normal(k1, (B, N, D), dtype=jnp.float32)
    x_v = jax.random.normal(k2, (B, N, 3), dtype=jnp.float32)
    # nn.Linear(input_dim*K, embed_dim) parameters
    fan_in = K * D
    bound = 1.0 / np.sqrt(fan_in)
    k3a, k3b = jax.random.split(k3)
    W = jax.random.uniform(k3a, (E, fan_in), dtype=jnp.float32, minval=-bound, maxval=bound)
    b = jax.random.uniform(k3b, (E,), dtype=jnp.float32, minval=-bound, maxval=bound)
    return {"x": x, "x_v": x_v, "W": W, "b": b}

def _knn_idx(x_v, Kn):
    # pytorch3d.knn_points(x_v, x_v, K): squared L2 dists, self-query included.
    d2 = jnp.sum(x_v * x_v, axis=-1)
    dmat = d2[:, :, None] + d2[:, None, :] - 2.0 * jnp.einsum('bnd,bmd->bnm', x_v, x_v)
    # return_sorted=True: top_k on negative distance yields ascending-distance order
    _, idx = jax.lax.top_k(-dmat, Kn)
    return idx

def reference(x, x_v, W, b):
    idx = _knn_idx(x_v, K)                              # [B, N, K] int32
    gathered = jax.vmap(lambda xi, ii: xi[ii])(x, idx)   # knn_gather -> [B, N, K, D]
    flat = gathered.reshape(gathered.shape[0], gathered.shape[1], -1)  # [B, N, K*D]
    out = flat @ W.T + b                                 # [B, N, E]
    return out

if __name__ == "__main__":
    import jax
    _d = setup_inputs()
    print(jax.jit(kernel)(*tuple(_d.values())))

</pallas_src>

<mosaic_0001>
#map = affine_map<(d0, d1) -> (0, 0)>
#map1 = affine_map<(d0, d1) -> (0)>
module attributes {stable_mosaic.version = 14 : i64} {
  func.func @gather_k(%arg0: i32, %arg1: i32, %arg2: memref<16384x128xf32, #tpu.memory_space<hbm>>, %arg3: memref<442368xi32, #tpu.memory_space<hbm>>, %arg4: memref<442368x128xf32, #tpu.memory_space<hbm>>, %arg5: memref<512xi32, #tpu.memory_space<vmem>>, %arg6: memref<512x128xf32, #tpu.memory_space<vmem>>, %arg7: memref<!tpu.dma_semaphore, #tpu.memory_space<semaphore_mem>>) attributes {dimension_semantics = [#tpu.dimension_semantics<core_parallel>, #tpu.dimension_semantics<subcore_parallel>], iteration_bounds = array<i64: 2, 16>, scalar_prefetch = 0 : i64, scratch_operands = 3 : i64, tpu.core_type = #tpu.core_type<sc_vector_subcore>, window_params = [{transform_indices = #map}, {transform_indices = #map1}, {transform_indices = #map}]} {
    %mul3A = arith.constant 2 : i32
    %mul3A_0 = arith.muli %arg1, %mul3A : i32
    %add3A = arith.addi %mul3A_0, %arg0 : i32
    %mul3A_1 = arith.constant 13824 : i32
    %mul3A_2 = arith.muli %add3A, %mul3A_1 : i32
    %scan3A = arith.constant 0 : i32
    %scan3A_3 = arith.constant 27 : i32
    %scan3A_4 = arith.addi %scan3A, %scan3A_3 : i32
    %scan3A_5 = arith.constant 1 : i32
    scf.for %scan3A_7 = %scan3A to %scan3A_4 step %scan3A_5  : i32 {
      %mul3A_8 = arith.constant 512 : i32
      %mul3A_9 = arith.muli %scan3A_7, %mul3A_8 : i32
      %add3A_10 = arith.addi %mul3A_2, %mul3A_9 : i32
      "tpu.region"() ({
        %run_scoped3A = tpu.sem_alloc : memref<!tpu.dma_semaphore, #tpu.memory_space<semaphore_mem>>
        %dma_start3A_15 = tpu.memref_slice %arg3[%add3A_10] : memref<442368xi32, #tpu.memory_space<hbm>> -> memref<512xi32, #tpu.memory_space<hbm>>
        %dma_start3A_16 = tpu.memref_slice %arg3[%add3A_10] : memref<442368xi32, #tpu.memory_space<hbm>> -> memref<512xi32, #tpu.memory_space<hbm>>
        tpu.enqueue_dma source(%dma_start3A_16 : memref<512xi32, #tpu.memory_space<hbm>>) target(%arg5 : memref<512xi32, #tpu.memory_space<vmem>>) target_semaphore(%run_scoped3A : memref<!tpu.dma_semaphore, #tpu.memory_space<semaphore_mem>>)
        %dma_wait3A_17 = tpu.memref_slice %arg3[%add3A_10] : memref<442368xi32, #tpu.memory_space<hbm>> -> memref<512xi32, #tpu.memory_space<hbm>>
        %dma_wait3A_18 = tpu.memref_slice %arg3[%add3A_10] : memref<442368xi32, #tpu.memory_space<hbm>> -> memref<512xi32, #tpu.memory_space<hbm>>
        tpu.wait_dma2 semaphore(%run_scoped3A : memref<!tpu.dma_semaphore, #tpu.memory_space<semaphore_mem>>) src(%dma_wait3A_18 : memref<512xi32, #tpu.memory_space<hbm>>) dst(%arg5 : memref<512xi32, #tpu.memory_space<vmem>>)
        tpu.yield
      }) : () -> ()
      %dma_start3A = arith.constant 0 : i32
      %dma_start3A_11 = arith.constant 0 : i32
      %dma_start3A_12 = tpu.memref_slice %arg2[%dma_start3A, %dma_start3A_11] : memref<16384x128xf32, #tpu.memory_space<hbm>> -> memref<16384x128xf32, #tpu.memory_space<hbm>>
      tpu.enqueue_indirect_dma source(%dma_start3A_12 : memref<16384x128xf32, #tpu.memory_space<hbm>>) target(%arg6 : memref<512x128xf32, #tpu.memory_space<vmem>>) offsets(%arg5 : memref<512xi32, #tpu.memory_space<vmem>>) semaphore(%arg7 : memref<!tpu.dma_semaphore, #tpu.memory_space<semaphore_mem>>)
      %dma_wait3A = arith.constant 0 : i32
      %dma_wait3A_13 = arith.constant 0 : i32
      %dma_wait3A_14 = tpu.memref_slice %arg2[%dma_wait3A, %dma_wait3A_13] : memref<16384x128xf32, #tpu.memory_space<hbm>> -> memref<16384x128xf32, #tpu.memory_space<hbm>>
      tpu.wait_indirect_dma semaphore(%arg7 : memref<!tpu.dma_semaphore, #tpu.memory_space<semaphore_mem>>) src(%dma_wait3A_14 : memref<16384x128xf32, #tpu.memory_space<hbm>>) dst(%arg6 : memref<512x128xf32, #tpu.memory_space<vmem>>)
      "tpu.region"() ({
        %run_scoped3A = tpu.sem_alloc : memref<!tpu.dma_semaphore, #tpu.memory_space<semaphore_mem>>
        %dma_start3A_15 = arith.constant 0 : i32
        %dma_start3A_16 = tpu.memref_slice %arg4[%add3A_10, %dma_start3A_15] : memref<442368x128xf32, #tpu.memory_space<hbm>> -> memref<512x128xf32, #tpu.memory_space<hbm>>
        %dma_start3A_17 = arith.constant 0 : i32
        %dma_start3A_18 = tpu.memref_slice %arg4[%add3A_10, %dma_start3A_17] : memref<442368x128xf32, #tpu.memory_space<hbm>> -> memref<512x128xf32, #tpu.memory_space<hbm>>
        tpu.enqueue_dma source(%arg6 : memref<512x128xf32, #tpu.memory_space<vmem>>) target(%dma_start3A_18 : memref<512x128xf32, #tpu.memory_space<hbm>>) target_semaphore(%run_scoped3A : memref<!tpu.dma_semaphore, #tpu.memory_space<semaphore_mem>>)
        %dma_wait3A_19 = arith.constant 0 : i32
        %dma_wait3A_20 = tpu.memref_slice %arg4[%add3A_10, %dma_wait3A_19] : memref<442368x128xf32, #tpu.memory_space<hbm>> -> memref<512x128xf32, #tpu.memory_space<hbm>>
        %dma_wait3A_21 = arith.constant 0 : i32
        %dma_wait3A_22 = tpu.memref_slice %arg4[%add3A_10, %dma_wait3A_21] : memref<442368x128xf32, #tpu.memory_space<hbm>> -> memref<512x128xf32, #tpu.memory_space<hbm>>
        tpu.wait_dma2 semaphore(%run_scoped3A : memref<!tpu.dma_semaphore, #tpu.memory_space<semaphore_mem>>) src(%arg6 : memref<512x128xf32, #tpu.memory_space<vmem>>) dst(%dma_wait3A_22 : memref<512x128xf32, #tpu.memory_space<hbm>>)
        tpu.yield
      }) : () -> ()
    }
    %scan3A_6 = arith.constant 27 : i32
    return
  }
}

module attributes {stable_mosaic.version = 14 : i64} {
  func.func @_dist_body(%arg0: i32, %arg1: i32, %arg2: memref<1x512x8xf32, #tpu.memory_space<vmem>>, %arg3: memref<1x4096x8xf32, #tpu.memory_space<vmem>>, %arg4: memref<1x512x4096xf32, #tpu.memory_space<vmem>>) attributes {dimension_semantics = [#tpu.dimension_semantics<arbitrary>, #tpu.dimension_semantics<arbitrary>], iteration_bounds = array<i64: 4, 8>, scalar_prefetch = 0 : i64, scratch_operands = 0 : i64, tpu.core_type = #tpu.core_type<tc>, window_params = [{transform_indices = @transform_0, window_bounds = array<i64: 1, 512, 8>}, {transform_indices = @transform_1, window_bounds = array<i64: 1, 4096, 8>}, {transform_indices = @transform_2, window_bounds = array<i64: 1, 512, 4096>}]} {
    %get3A = arith.constant 0 : index
    %get3A_0 = arith.constant 0 : index
    %get3A_1 = arith.constant 0 : index
    %get3A_2 = vector.load %arg2[%get3A, %get3A_0, %get3A_1] : memref<1x512x8xf32, #tpu.memory_space<vmem>>, vector<1x512x8xf32>
    %get3A_3 = vector.shape_cast %get3A_2 : vector<1x512x8xf32> to vector<512x8xf32>
    %get3A_4 = arith.constant 0 : index
    %get3A_5 = arith.constant 0 : index
    %get3A_6 = arith.constant 0 : index
    %get3A_7 = vector.load %arg3[%get3A_4, %get3A_5, %get3A_6] : memref<1x4096x8xf32, #tpu.memory_space<vmem>>, vector<1x4096x8xf32>
    %get3A_8 = vector.shape_cast %get3A_7 : vector<1x4096x8xf32> to vector<4096x8xf32>
    %mul3A = arith.mulf %get3A_3, %get3A_3 : vector<512x8xf32>
    %reduce_sum3A = arith.constant dense<0.000000e+00> : vector<512xf32>
    %reduce_sum3A_9 = vector.multi_reduction <add>, %mul3A, %reduce_sum3A [1] : vector<512x8xf32> to vector<512xf32>
    %broadcast_in_dim3A = vector.shape_cast %reduce_sum3A_9 : vector<512xf32> to vector<512x1xf32>
    %mul3A_10 = arith.mulf %get3A_8, %get3A_8 : vector<4096x8xf32>
    %reduce_sum3A_11 = arith.constant dense<0.000000e+00> : vector<4096xf32>
    %reduce_sum3A_12 = vector.multi_reduction <add>, %mul3A_10, %reduce_sum3A_11 [1] : vector<4096x8xf32> to vector<4096xf32>
    %broadcast_in_dim3A_13 = vector.shape_cast %reduce_sum3A_12 : vector<4096xf32> to vector<4096x1xf32>
    %dot_general3A = arith.constant dense<0.000000e+00> : vector<512x4096xf32>
    %dot_general3A_14 = tpu.matmul %get3A_3, %get3A_8, %dot_general3A {dimension_numbers = #tpu.dot_dimension_numbers<[1], [1], [0], [0], [0, 0, 1, 0], [], []>, transpose_lhs_hint = false} : vector<512x8xf32>, vector<4096x8xf32>, vector<512x4096xf32> -> vector<512x4096xf32>
    %transpose3A = tpu.transpose %broadcast_in_dim3A_13, [1, 0] : vector<4096x1xf32> -> vector<1x4096xf32>
    %add3A = vector.broadcast %broadcast_in_dim3A : vector<512x1xf32> to vector<512x4096xf32>
    %add3A_15 = vector.broadcast %transpose3A : vector<1x4096xf32> to vector<512x4096xf32>
    %add3A_16 = arith.addf %add3A, %add3A_15 : vector<512x4096xf32>
    %mul3A_17 = arith.constant 2.000000e+00 : f32
    %mul3A_18 = vector.broadcast %mul3A_17 : f32 to vector<512x4096xf32>
    %mul3A_19 = arith.mulf %mul3A_18, %dot_general3A_14 : vector<512x4096xf32>
    %sub3A = arith.subf %add3A_16, %mul3A_19 : vector<512x4096xf32>
    %neg3A = arith.constant 0.000000e+00 : f32
    %neg3A_20 = vector.broadcast %neg3A : f32 to vector<512x4096xf32>
    %neg3A_21 = arith.subf %neg3A_20, %sub3A : vector<512x4096xf32>
    %swap3A = arith.constant 0 : index
    %swap3A_22 = arith.constant 0 : index
    %swap3A_23 = arith.constant 0 : index
    %swap3A_24 = vector.load %arg4[%swap3A, %swap3A_22, %swap3A_23] : memref<1x512x4096xf32, #tpu.memory_space<vmem>>, vector<1x512x4096xf32>
    %swap3A_25 = vector.shape_cast %swap3A_24 : vector<1x512x4096xf32> to vector<512x4096xf32>
    %swap3A_26 = vector.shape_cast %neg3A_21 : vector<512x4096xf32> to vector<1x512x4096xf32>
    tpu.vector_store %arg4[%swap3A, %swap3A_22, %swap3A_23], %swap3A_26 {strides = array<i32>} : memref<1x512x4096xf32, #tpu.memory_space<vmem>>, vector<1x512x4096xf32>,
    return
  }
  func.func @transform_0(%arg0: i32, %arg1: i32) -> (i32, i32, i32) {
    %c0_i32 = arith.constant 0 : i32
    %c0_i32_0 = arith.constant 0 : i32
    return %arg0, %arg1, %c0_i32 : i32, i32, i32
  }
  func.func @transform_1(%arg0: i32, %arg1: i32) -> (i32, i32, i32) {
    %c0_i32 = arith.constant 0 : i32
    %c0_i32_0 = arith.constant 0 : i32
    %c0_i32_1 = arith.constant 0 : i32
    return %arg0, %c0_i32, %c0_i32_0 : i32, i32, i32
  }
  func.func @transform_2(%arg0: i32, %arg1: i32) -> (i32, i32, i32) {
    %c0_i32 = arith.constant 0 : i32
    %c0_i32_0 = arith.constant 0 : i32
    return %arg0, %arg1, %c0_i32 : i32, i32, i32
  }
}

module attributes {stable_mosaic.version = 14 : i64} {
  func.func @_mm_body(%arg0: i32, %arg1: memref<512x3456xf32, #tpu.memory_space<vmem>>, %arg2: memref<256x3456xf32, #tpu.memory_space<vmem>>, %arg3: memref<1x256xf32, #tpu.memory_space<vmem>>, %arg4: memref<512x256xf32, #tpu.memory_space<vmem>>) attributes {dimension_semantics = [#tpu.dimension_semantics<arbitrary>], iteration_bounds = array<i64: 32>, scalar_prefetch = 0 : i64, scratch_operands = 0 : i64, tpu.core_type = #tpu.core_type<tc>, window_params = [{transform_indices = @transform_0, window_bounds = array<i64: 512, 3456>}, {pipeline_mode = #tpu.pipeline_mode<synchronous>, transform_indices = @transform_1, window_bounds = array<i64: 256, 3456>}, {pipeline_mode = #tpu.pipeline_mode<synchronous>, transform_indices = @transform_2, window_bounds = array<i64: 1, 256>}, {transform_indices = @transform_3, window_bounds = array<i64: 512, 256>}]} {
    %get3A = arith.constant 0 : index
    %get3A_0 = arith.constant 0 : index
    %get3A_1 = vector.load %arg1[%get3A, %get3A_0] : memref<512x3456xf32, #tpu.memory_space<vmem>>, vector<512x3456xf32>
    %get3A_2 = arith.constant 0 : index
    %get3A_3 = arith.constant 0 : index
    %get3A_4 = vector.load %arg2[%get3A_2, %get3A_3] : memref<256x3456xf32, #tpu.memory_space<vmem>>, vector<256x3456xf32>
    %dot_general3A = arith.constant dense<0.000000e+00> : vector<512x256xf32>
    %dot_general3A_5 = tpu.matmul %get3A_1, %get3A_4, %dot_general3A {dimension_numbers = #tpu.dot_dimension_numbers<[1], [1], [0], [0], [0, 0, 1, 0], [], []>, transpose_lhs_hint = false} : vector<512x3456xf32>, vector<256x3456xf32>, vector<512x256xf32> -> vector<512x256xf32>
    %get3A_6 = arith.constant 0 : index
    %get3A_7 = arith.constant 0 : index
    %get3A_8 = vector.load %arg3[%get3A_6, %get3A_7] : memref<1x256xf32, #tpu.memory_space<vmem>>, vector<1x256xf32>
    %add3A = vector.broadcast %get3A_8 : vector<1x256xf32> to vector<512x256xf32>
    %add3A_9 = arith.addf %dot_general3A_5, %add3A : vector<512x256xf32>
    %swap3A = arith.constant 0 : index
    %swap3A_10 = arith.constant 0 : index
    %swap3A_11 = vector.load %arg4[%swap3A, %swap3A_10] : memref<512x256xf32, #tpu.memory_space<vmem>>, vector<512x256xf32>
    tpu.vector_store %arg4[%swap3A, %swap3A_10], %add3A_9 {strides = array<i32>} : memref<512x256xf32, #tpu.memory_space<vmem>>, vector<512x256xf32>,
    return
  }
  func.func @transform_0(%arg0: i32) -> (i32, i32) {
    %c0_i32 = arith.constant 0 : i32
    %c0_i32_0 = arith.constant 0 : i32
    return %arg0, %c0_i32 : i32, i32
  }
  func.func @transform_1(%arg0: i32) -> (i32, i32) {
    %c0_i32 = arith.constant 0 : i32
    %c0_i32_0 = arith.constant 0 : i32
    %c0_i32_1 = arith.constant 0 : i32
    return %c0_i32, %c0_i32_0 : i32, i32
  }
  func.func @transform_2(%arg0: i32) -> (i32, i32) {
    %c0_i32 = arith.constant 0 : i32
    %c0_i32_0 = arith.constant 0 : i32
    %c0_i32_1 = arith.constant 0 : i32
    return %c0_i32, %c0_i32_0 : i32, i32
  }
  func.func @transform_3(%arg0: i32) -> (i32, i32) {
    %c0_i32 = arith.constant 0 : i32
    %c0_i32_0 = arith.constant 0 : i32
    return %arg0, %c0_i32 : i32, i32
  }
}

</mosaic_0001>

<sc_bundles>
// kernel: kernel.5.cloned.1.call-start
scs
__scs_entry_jumppad:
0x0: {  	(pc) =	sbr.rel $0x88, $3  }
0x1: {  	(tag) =	ssettag $0x0;
	lr =	simm.s32 $0x1  }
0x2: {  	[smem:$0x3F9D] =	sst lr;
	_ =	strace $0xD0000000  }
0x3: {  	_ = 	snop  }
0x4: {  	_ = 	snop  }
0x5: {  	_ = 	snop  }
0x6: {  	_ = 	snop  }
0x7: {  	_ = 	snop  }
__scs_overlays_trampoline_lowered:
0x8: {  	[smem:$0x3FAC] =	sst s0  }
0x9: {  	[smem:$0x3FAD] =	sst s1  }
0xa: {  	[smem:$0x3FAE] =	sst s2  }
0xb: {  	[smem:$0x3FAF] =	sst s3  }
0xc: {  	[smem:$0x3FB0] =	sst s4  }
0xd: {  	[smem:$0x3FB1] =	sst s5  }
0xe: {  	[smem:$0x3FB2] =	sst s6  }
0xf: {  	[smem:$0x3FB3] =	sst s7  }
0x10: {  	[smem:$0x3FB4] =	sst s8  }
0x11: {  	[smem:$0x3FB5] =	sst s9;
	s0 =	simm.s32 @!p0 $0x0  }
0x12: {  	s1 =	sld [smem:$0x3F9B];
	s0 =	simm.s32 @p0 $0x1  }
0x13: {  	[smem:$0x3FB6] =	sst s0;
	s0 =	simm.s32 @!p1 $0x0  }
0x14: {  	s2 =	sld [smem:$0x3F9A];
	s0 =	simm.s32 @p1 $0x1  }
0x15: {  	[smem:$0x3FB7] =	sst s0;
	s0 =	simm.s32 @!p2 $0x0  }
0x16: {  	s3 =	sld [smem:$0x3FDB];
	s0 =	simm.s32 @p2 $0x1  }
0x17: {  	s4 =	simm.s32 $0x1BF5;
	[smem:$0x3FB9] =	sst s0  }
0x18: {  	s0 =	sld [smem:$0x3F9C];
	_ =	swait.ge [sflag:s4], $0x0  }
0x19: {  	s7 =	sld [smem:$0x3F9D]  }
0x1a: {  	s8 =	sadd.s32 $0xFFFFE003, lr  }
0x1b: {  	s9 =	sadd.s32 $0xFFFFFEF7, lr;
	s5 =	simm.s32 $0xFFFFFFFF;
	p2 =	slt.u32 s8, $0xFFFFF086  }
0x1c: {  	p1 =	slt.u32 s9, $0xF7A;
	s5 =	simm.s32 @!p2 $0x0  }
0x1d: {  	s5 =	simm.s32 @p1 $0x1;
	p0 =	seq.s32 s7, s2  }
0x1e: {  	s7 =	smul.u32 @!p0 $0xF7A, s2;
	p2 =	seq.s32 @!p0 s5, $0x0  }
0x1f: {  	s9 =	smul.u32 $0xF7A, s1;
	s8 =	simm.s32 @!p0 $0x1BF5;
	p2 =	por !p2, p0  }
0x20: {  	[sflag:s8] =	ssyncset.s32 @!p0 $0xFFFFF086;
	s6 =	sadd.s32 @!p0 s3, s7;
	s7 =	simm.s32 @!p0 $0x108  }
0x21: {  	s3 =	sadd.s32 s3, s9;
	s6 =	sadd.s32 @!p0 $0x88, s6;
	s7 =	simm.s32 @p2 $0x1082  }
0x22: {  	[simem:s7], [sflag:s8] =	dma.local @!p0 [hbm:s6], $0xF7A  }
0x23: {  	s9 =	sor.u32 $0xD0000000, s2;
	s6 =	simm.s32 $0x108;
	_ =	swait.ge @!p0 [sflag:s8], $0x0  }
0x24: {  	s3 =	sadd.s32 $0x88, s3;
	s6 =	simm.s32 @!p1 $0x1082;
	[sflag:s4] =	ssyncset.s32 $0xFFFFF086  }
0x25: {  	[simem:s6], [sflag:s4] =	dma.local [hbm:s3], $0xF7A  }
0x26: {  	[smem:$0x3F9D] =	sst s1;
	(tag) =	ssettag s2;
	_ =	strace s9  }
0x27: {  	s1 =	sld [smem:$0x3FAD]  }
0x28: {  	s2 =	sld [smem:$0x3FAE]  }
0x29: {  	s4 =	sld [smem:$0x3FB0]  }
0x2a: {  	p0 =	seq.s32 s5, $0x0;
	s5 =	sld [smem:$0x3FB1]  }
0x2b: {  	s6 =	sld [smem:$0x3FB2]  }
0x2c: {  	s7 =	sld [smem:$0x3FB3]  }
0x2d: {  	s3 =	simm.s32 $0x108;
	s8 =	sld [smem:$0x3FB4]  }
0x2e: {  	s3 =	simm.s32 @!p0 $0x1082;
	s9 =	sld [smem:$0x3FB5]  }
0x2f: {  	lr =	sadd.s32 s0, s3;
	s0 =	sld [smem:$0x3FAC]  }
0x30: {  	s3 =	sld [smem:$0x3FAF]  }
0x31: {  	[smem:$0x3FB8] =	sst s10  }
0x32: {  	s10 =	sld [smem:$0x3FB6];
	_ =	sdelay $0x3  }
0x33: {  	p0 =	seq.s32 s10, $0x1;
	s10 =	sld [smem:$0x3FB8];
	_ =	sdelay $0x3  }
0x34: {  	[smem:$0x3FB8] =	sst s10  }
0x35: {  	s10 =	sld [smem:$0x3FB7];
	_ =	sdelay $0x3  }
0x36: {  	p1 =	seq.s32 s10, $0x1;
	s10 =	sld [smem:$0x3FB8];
	_ =	sdelay $0x3  }
0x37: {  	[smem:$0x3FB8] =	sst s10  }
0x38: {  	s10 =	sld [smem:$0x3FB9]  }
0x39: {  	_ = 	snop;
	(pc) =	sbr.ind lr, $3  }
0x3a: {  	_ = 	snop  }
0x3b: {  	_ = 	snop  }
0x3c: {  	p2 =	seq.s32 s10, $0x1;
	s10 =	sld [smem:$0x3FB8]  }
0x3d: {  	_ =	shalt  }
0x3e: {  	_ =	shalt  }
0x3f: {  	_ =	shalt  }
0x40: {  	_ =	shalt  }
0x41: {  	_ =	shalt  }
0x42: {  	_ =	shalt  }
0x43: {  	_ =	shalt  }
0x44: {  	_ =	shalt  }
0x45: {  	_ =	shalt  }
0x46: {  	_ =	shalt  }
0x47: {  	_ =	shalt  }
0x48: {  	_ =	shalt  }
0x49: {  	_ =	shalt  }
0x4a: {  	_ =	shalt  }
0x4b: {  	_ =	shalt  }
0x4c: {  	_ =	shalt  }
0x4d: {  	_ =	shalt  }
0x4e: {  	_ =	shalt  }
0x4f: {  	_ =	shalt  }
0x50: {  	_ =	shalt  }
0x51: {  	_ =	shalt  }
0x52: {  	_ =	shalt  }
0x53: {  	_ =	shalt  }
0x54: {  	_ =	shalt  }
0x55: {  	_ =	shalt  }
0x56: {  	_ =	shalt  }
0x57: {  	_ =	shalt  }
0x58: {  	_ =	shalt  }
0x59: {  	_ =	shalt  }
0x5a: {  	_ =	shalt  }
0x5b: {  	_ =	shalt  }
0x5c: {  	_ =	shalt  }
0x5d: {  	_ =	shalt  }
0x5e: {  	_ =	shalt  }
0x5f: {  	_ =	shalt  }
0x60: {  	_ =	shalt  }
0x61: {  	_ =	shalt  }
0x62: {  	_ =	shalt  }
0x63: {  	_ =	shalt  }
0x64: {  	_ =	shalt  }
0x65: {  	_ =	shalt  }
0x66: {  	_ =	shalt  }
0x67: {  	_ =	shalt  }
0x68: {  	_ =	shalt  }
0x69: {  	_ =	shalt  }
0x6a: {  	_ =	shalt  }
0x6b: {  	_ =	shalt  }
0x6c: {  	_ =	shalt  }
0x6d: {  	_ =	shalt  }
0x6e: {  	_ =	shalt  }
0x6f: {  	_ =	shalt  }
0x70: {  	_ =	shalt  }
0x71: {  	_ =	shalt  }
0x72: {  	_ =	shalt  }
0x73: {  	_ =	shalt  }
0x74: {  	_ =	shalt  }
0x75: {  	_ =	shalt  }
0x76: {  	_ =	shalt  }
0x77: {  	_ =	shalt  }
0x78: {  	_ =	shalt  }
0x79: {  	_ =	shalt  }
0x7a: {  	_ =	shalt  }
0x7b: {  	_ =	shalt  }
0x7c: {  	_ =	shalt  }
0x7d: {  	_ =	shalt  }
0x7e: {  	_ =	shalt  }
0x7f: {  	_ =	shalt  }
0x80: {  	_ =	shalt  }
0x81: {  	_ =	shalt  }
0x82: {  	_ =	shalt  }
0x83: {  	_ =	shalt  }
0x84: {  	_ =	shalt  }
0x85: {  	_ =	shalt  }
0x86: {  	_ =	shalt  }
0x87: {  	_ =	shalt  }
.Lfunc_end0:
.L_simem_size_0:
called_computation_lowered:
.L_overlay_start_0:
0x88: {  	s2 =	sld [smem:$0x3FD9]  }
0x89: {  	s3 =	sld [smem:$0x3FFE];
	_ =	sdelay $0x1  }
0x8a: {  	s1 =	srdreg.scid  }
0x8b: {  	s0 =	sand.u32 $0x1, s1  }
0x8c: {  	s17 =	sshll.u32 s0, $0xA;
	s2 =	sadd.s32 s3, s2  }
0x8d: {  	s2 =	sadd.s32 s2, s17  }
0x8e: {  	[smem:$0x3FC4] =	sst s2  }
0x8f: {  	_ = 	snop  }
0x90: {  	s2 =	sld [smem:$0x3FC9]  }
0x91: {  	s18 =	sld [smem:$0x3FD0];
	(tm) =	ssettm $0x1  }
0x92: {  	s4 =	sld [smem:$0x3FFB];
	_ =	sdelay $0x3  }
0x93: {  	_ =	strace s4  }
0x94: {  	s4 =	sld [smem:$0x3FFC];
	_ =	sdelay $0x3  }
0x95: {  	_ =	strace s4  }
0x96: {  	s4 =	sld [smem:$0x3FFD];
	_ =	sdelay $0x3  }
0x97: {  	_ =	strace s4  }
0x98: {  	_ =	strace $0x8FFFFFFF  }
0x99: {  	s19 =	sld [smem:$0x3FDB];
	_ =	sdelay $0x1  }
0x9a: {  	s5 =	simm.s32 $_scs_section_size  }
0x9b: {  	s6 =	simm.s32 $_size__tile_overlayer_lowered;
	s7 =	simm.s32 $_tile_overlayer_lowered  }
0x9c: {  	s22 =	simm.s32 $0x1BFF;
	s21 =	sshll.u32 s7, $0x1;
	s4 =	sadd.s32 s5, s19  }
0x9d: {  	s8 =	simm.s32 $0x0;
	s20 =	sshll.u32 s6, $0x1;
	s6 =	sadd.s32 s21, s4  }
0x9e: {  	[timem:s8], [sflag:s22] =	dma.local [hbm:s6], s20  }
0x9f: {  	_ =	swait.ge [sflag:s22], s20  }
0xa0: {  	s5 =	ssub.s32 $0x0, s20;
	[sflag:s22] =	ssyncset.done $0x0  }
0xa1: {  	[sflag:s22] =	ssyncadd.s32 s5;
	_ =	sdelay $0x1  }
0xa2: {  	s23 =	simm.s32 $0x1B8B  }
0xa3: {  	_ =	swait.ge [sflag:s23], $0x1  }
0xa4: {  	[sflag:s23] =	ssyncset.done $0x0  }
0xa5: {  	s25 =	simm.s32 $0x1B8E;
	s24 =	sld [smem:$0x3FFE];
	[sflag:s23] =	ssyncadd.s32 $0xFFFFFFFF  }
0xa6: {  	s26 =	simm.s32 $execute0_lowered;
	[smem:$0x3FD2] =	sst s25  }
0xa7: {  	s6 =	sshll.u32 s26, $0x1;
	_ =	strace $0x80000046;
	[dreg:$0x1] =	wrdreg $0xFFFFFFFF  }
0xa8: {  	s28 =	simm.s32 $_size_execute0_lowered;
	s4 =	sadd.s32 s4, s6;
	[dreg:$0x0] =	wrdreg $0x0  }
0xa9: {  	s6 =	sshll.u32 s28, $0x1;
	[dreg:$0x2] =	wrdreg s4  }
0xaa: {  	[dreg:$0x3] =	wrdreg s6  }
0xab: {  	[dreg:$0x4] =	wrdreg $0xC0  }
0xac: {  	_ =	task [dreg:s8], $0x5FFFF  }
0xad: {  	[dreg:$0x1] =	wrdreg $0xFFFFFFFF  }
0xae: {  	[dreg:$0x0] =	wrdreg $0x60  }
0xaf: {  	[dreg:$0x2] =	wrdreg s2  }
0xb0: {  	[dreg:$0x3] =	wrdreg s18  }
0xb1: {  	[dreg:$0x4] =	wrdreg s24  }
0xb2: {  	[dreg:$0x5] =	wrdreg $0x9  }
0xb3: {  	_ =	task.clear_ibuf [dreg:s8], $0x6FFFF;
	_ =	strace $0x90000046  }
0xb4: {  	s29 =	simm.s32 $0x9;
	_ =	strace $0x80000048  }
0xb5: {  	_ =	swait.ge [sflag:s29], $0x1  }
0xb6: {  	[sflag:s29] =	ssyncadd.s32 $0xFFFFFFFF  }
0xb7: {  	_ =	strace $0x90000048  }
0xb8: {  	_ =	sfence  }
0xb9: {  	s30 =	sld [smem:$0x0];
	_ =	sdelay $0x2  }
0xba: {  	s31 =	sshll.u32 s1, $0xD;
	s1 =	sshrl.u32 s1, $0x2  }
0xbb: {  	s3 =	sand.u32 $0x4000, s31;
	s1 =	sadd.s32 s1, s30  }
0xbc: {  	s0 =	sor.u32 s3, s0;
	s1 =	sshll.u32 s1, $0x11  }
0xbd: {  	s0 =	sor.u32 s1, s0  }
0xbe: {  	s0 =	sadd.s32 $0x8F2B, s0  }
0xbf: {  	[sflag:s0] =	ssyncadd.remote.s32 $0x1  }
0xc0: {  	_ =	sfence.sel $0xFFFF  }
0xc1: {  	[dreg:$0x0] =	wrdreg $0xFFFFFFFF;
	(pc) =	sbr.abs _section_cstart, $3  }
0xc2: {  	[dreg:$0x1] =	wrdreg $0xFFFFFFFF  }
0xc3: {  	_ =	task.clear_ibuf [dreg:s8], $0x2FFFF;
	_ =	strace $0x9FFFFFFF  }
0xc4: {  	(tm) =	ssettm $0x7FFFFFFF  }
0xc5: {  	_ =	shalt  }
tec
execute0_lowered:
.L_overlay_start_1:
0x0: {  	(tag) =	ssettag $0x1  }
0x1: {  	s2 =	rddreg [dreg:$0x0]  }
0x2: {  	s6 =	rddreg [dreg:$0x1]  }
0x3: {  	s0 =	srdreg.scid;
	s1 =	stileid.u32  }
0x4: {  	s5 =	rddreg [dreg:$0x2];
	s8 =	smul.u32 $0x6C00, s1  }
0x5: {  	s3 =	simm.s32 $0x0;
	s4 =	sand.u32 $0x1, s0;
	s30 =	smul.u32 $0x6C000, s1  }
0x6: {  	s0 =	rddreg [dreg:$0x3];
	s7 =	ssub.s32 $0x2, s4;
	s10 =	smul.u32 $0x3600, s4  }
0x7: {  	[smem:$0x7FF] =	sst s3;
	s11 =	smul.u32 $0x36000, s4;
	s9 =	sshrl.u32 s7, $0x1  }
0x8: {  	_ =	strace $0x80000047;
	s5 =	sadd.s32 s30, s5;
	s7 =	ssub.s32 s7, s9  }
0x9: {  	s8 =	sadd.s32 s10, s8;
	s5 =	sadd.s32 s11, s5;
	s9 =	simm.s32 $0x1  }
0xa: {  	s10 =	simm.s32 $0x0;
	s4 =	smax.u32 s7, $0x1;
	s31 =	sshrl.u32 s8, $0x3  }
0xb: {  	s7 =	simm.s32 $0x2;
	s8 =	simm.s32 $0x200;
	s6 =	sadd.s32 s31, s6  }
.LBB2_1:
0xc: {  	s11 =	sadd.s32 $0x0, s6  }
0xd: {  	[tilespmem:s3], [sflag:$0x2] =	stream.linear.gather [hbm4b:s11+s3], $0x200, $0x38;
	[tilespmem:$0x10200] =	vst v63  }
0xe: {  	_ =	swait.ge [sflag:s7], $0x200  }
0xf: {  	[sflag:s7] =	ssyncset.done $0x0  }
0x10: {  	[sflag:s7] =	ssyncadd.s32 $0xFFFFFE00  }
0x11: {  	[tilespmem:s8], [sflag:$0x1] =	stream.indirect.gather [hbm4b:s2+s8], $0x80, s3, s8, $0xb8;
	[tilespmem:$0x10200] =	vst v63  }
0x12: {  	_ =	swait.ge [sflag:s9], $0x10000  }
0x13: {  	[sflag:s9] =	ssyncset.done $0x0  }
0x14: {  	[sflag:s9] =	ssyncadd.s32 $0xFFFF0000  }
0x15: {  	[hbm4b:s5+s3] =	stream.linear.scatter [tilespmem:s8], [sflag:$0x2], $0x10000, $0x38;
	[tilespmem:$0x10200] =	vst v63  }
0x16: {  	s12 =	simm.s32 $0x40;
	_ =	swait.ge [sflag:s7], $0x10000  }
0x17: {  	s13 =	simm.s32 $0x80;
	s11 =	sadd.s32 $0x2000, s5;
	[sflag:s7] =	ssyncset.done $0x0  }
.LBB2_2:
0x18: {  	s14 =	sadd.s32 s12, s6  }
0x19: {  	[sflag:s7] =	ssyncadd.s32 $0xFFFF0000;
	s12 =	smov.u32 s13;
	s15 =	sadd.s32 $0x40, s13  }
0x1a: {  	[tilespmem:s3], [sflag:$0x2] =	stream.linear.gather [hbm4b:s14+s3], $0x200, $0x38;
	[tilespmem:$0x10200] =	vst v63  }
0x1b: {  	p0 =	sne.s32 s13, $0x680;
	_ =	swait.ge [sflag:s7], $0x200  }
0x1c: {  	[sflag:s7] =	ssyncset.done $0x0  }
0x1d: {  	[sflag:s7] =	ssyncadd.s32 $0xFFFFFE00  }
0x1e: {  	[tilespmem:s8], [sflag:$0x1] =	stream.indirect.gather [hbm4b:s2+s8], $0x80, s3, s8, $0xb8;
	[tilespmem:$0x10200] =	vst v63  }
0x1f: {  	_ =	swait.ge [sflag:s9], $0x10000  }
.Ltmp0:
0x20: {  	[sflag:s9] =	ssyncset.done $0x0;
	(pc) =	sbr.rel @p0 .LBB2_2-.Ltmp0, $4  }
0x21: {  	[sflag:s9] =	ssyncadd.s32 $0xFFFF0000  }
0x22: {  	[hbm4b:s11+s3] =	stream.linear.scatter [tilespmem:s8], [sflag:$0x2], $0x10000, $0x38;
	[tilespmem:$0x10200] =	vst v63  }
0x23: {  	_ =	swait.ge [sflag:s7], $0x10000  }
0x24: {  	s13 =	smov.u32 s15;
	s11 =	sadd.s32 $0x2000, s11;
	[sflag:s7] =	ssyncset.done $0x0  }
0x25: {  	s12 =	sadd.s32 s12, s6;
	[sflag:s7] =	ssyncadd.s32 $0xFFFF0000  }
0x26: {  	[tilespmem:s3], [sflag:$0x2] =	stream.linear.gather [hbm4b:s12+s3], $0x200, $0x38;
	[tilespmem:$0x10200] =	vst v63  }
0x27: {  	_ =	swait.ge [sflag:s7], $0x200  }
0x28: {  	[sflag:s7] =	ssyncset.done $0x0  }
0x29: {  	[sflag:s7] =	ssyncadd.s32 $0xFFFFFE00  }
0x2a: {  	[tilespmem:s8], [sflag:$0x1] =	stream.indirect.gather [hbm4b:s2+s8], $0x80, s3, s8, $0xb8;
	[tilespmem:$0x10200] =	vst v63  }
0x2b: {  	s10 =	sadd.s32 $0x1, s10;
	_ =	swait.ge [sflag:s9], $0x10000  }
0x2c: {  	p0 =	sne.s32 s10, s4;
	[sflag:s9] =	ssyncset.done $0x0  }
.Ltmp1:
0x2d: {  	[sflag:s9] =	ssyncadd.s32 $0xFFFF0000;
	(pc) =	sbr.rel @p0 .LBB2_1-.Ltmp1, $4  }
0x2e: {  	[hbm4b:s11+s3] =	stream.linear.scatter [tilespmem:s8], [sflag:$0x2], $0x10000, $0x38;
	[tilespmem:$0x10200] =	vst v63  }
0x2f: {  	_ =	swait.ge [sflag:s7], $0x10000  }
0x30: {  	[sflag:s7] =	ssyncset.done $0x0  }
0x31: {  	[sflag:s7] =	ssyncadd.s32 $0xFFFF0000  }
0x32: {  	_ =	sfence.sel $0x180000  }
0x33: {  	[bflag:$0x0] =	sbarrier.arrive $0xFFFF  }
0x34: {  	p0 =	sne.s32 s1, $0x0;
	_ =	strace $0x90000047  }
0x35: {  	s0 =	sadd.s32 @!p0 $0x100000, s0;
	[bflag:$0x2] =	sbarrier.arrive $0xFFFF  }
0x36: {  	[sflag:s0] =	ssyncadd.tile.s32 @!p0 $0x1;
	_ =	shalt  }
.Lfunc_end2:
_tile_overlayer_lowered:
.L_overlay_start_2:
0x37: {  	(tag) =	ssettag $0x2  }
0x38: {  	s0 =	rddreg [dreg:$0x0];
	s2 =	stileid.u32  }
0x39: {  	s1 =	rddreg [dreg:$0x1];
	p0 =	sne.s32 s2, $0x0  }
0x3a: {  	s3 =	rddreg [dreg:$0x2];
	[bflag:$0x3] =	sbarrier.arrive $0xFFFF;
	s2 =	simm.s32 @!p0 $0x1C02  }
0x3b: {  	[timem:s3], [sflag:s2] =	dma.local @!p0 [hbm:s0], s1  }
0x3c: {  	s0 =	simm.s32 @!p0 $0x2  }
0x3d: {  	_ =	swait.ge @!p0 [sflag:s0], s1  }
0x3e: {  	s1 =	ssub.s32 @!p0 $0x0, s1;
	[sflag:s0] =	ssyncset.done @!p0 $0x0  }
0x3f: {  	[sflag:s0] =	ssyncadd.s32 @!p0 s1  }
0x40: {  	[bflag:$0x3] =	sbarrier.arrive $0xFFFF  }
0x41: {  	_ =	shalt  }

</sc_bundles>
